<compile_context>
chip_gen: v7x
topology: tpu7x:2x2x1
jax: 0.10.2.dev20260603
libtpu: 0.0.44.dev20260713+nightly
codegen_flags: <defaults>
</compile_context>

<pallas_src>
import functools

import jax
import jax.numpy as jnp
from jax import lax
from jax.experimental import pallas as pl
from jax.experimental.pallas import tpu as pltpu
from jax.experimental.pallas import tpu_sc as plsc

VOCAB_SIZE = 1000000
EMBED_DIM = 64
BATCH = 4
SEQ_LEN = 8192
SCALE = 8.0

NUM_CORES = 2
NUM_SUBCORES = 16
NUM_WORKERS = NUM_CORES * NUM_SUBCORES
TOTAL = BATCH * SEQ_LEN
B_PER_W = TOTAL // NUM_WORKERS
LANES = 16


def _body(table_hbm, idx_hbm, out_hbm, idx_v, rows_v, sem):
    wid = lax.axis_index("s") * NUM_CORES + lax.axis_index("c")
    base = wid * B_PER_W
    pltpu.sync_copy(idx_hbm.at[pl.ds(base, B_PER_W)], idx_v)
    pltpu.async_copy(table_hbm.at[idx_v], rows_v, sem).wait()

    def scale_row(i, carry):
        for j in range(EMBED_DIM // LANES):
            sl = rows_v[i, pl.ds(j * LANES, LANES)]
            rows_v[i, pl.ds(j * LANES, LANES)] = sl * SCALE
        return carry

    lax.fori_loop(0, B_PER_W, scale_row, 0)
    w_per_b = SEQ_LEN // B_PER_W
    b = wid // w_per_b
    s0 = (wid % w_per_b) * B_PER_W
    pltpu.sync_copy(rows_v, out_hbm.at[b, pl.ds(s0, B_PER_W)])


@jax.jit
def _embed(table, idx):
    mesh = plsc.VectorSubcoreMesh(core_axis_name="c", subcore_axis_name="s")
    run = pl.kernel(
        _body,
        out_type=jax.ShapeDtypeStruct((BATCH, SEQ_LEN, EMBED_DIM), jnp.float32),
        mesh=mesh,
        scratch_types=[
            pltpu.VMEM((B_PER_W,), jnp.int32),
            pltpu.VMEM((B_PER_W, EMBED_DIM), jnp.float32),
            pltpu.SemaphoreType.DMA,
        ],
        compiler_params=pltpu.CompilerParams(use_tc_tiling_on_sc=False),
    )
    return run(table, idx)


def kernel(x, input_embedding_table):
    idx = x.reshape(-1).astype(jnp.int32)
    return _embed(input_embedding_table, idx)

# --- scband reference (transcript-rebuilt; emitter-appended) ---
"""Pipeline reference for scband-embedder-70832600646206 (READ-ONLY COPY).

The authoritative reference and input builder live on the scoring server;
editing this copy changes nothing except your own understanding.
"""

import jax, jax.numpy as jnp
import numpy as np

VOCAB_SIZE = 1000000
EMBED_DIM = 64
BATCH = 4
SEQ_LEN = 8192

def setup_inputs(seed: int = 0) -> dict:
    key = jax.random.key(seed)
    k1, k2 = jax.random.split(key)
    x = jax.random.randint(k1, (BATCH, SEQ_LEN), 0, VOCAB_SIZE, dtype=jnp.int64 if jax.config.jax_enable_x64 else jnp.int32)
    input_embedding_table = jax.random.normal(k2, (VOCAB_SIZE, EMBED_DIM), dtype=jnp.float32) * 0.01
    return {"x": x, "input_embedding_table": input_embedding_table}

def reference(x, input_embedding_table):
    # Embedder.encode: gather rows from the embedding table, then scale by sqrt(embed_dim)
    out = jnp.take(input_embedding_table, x, axis=0)
    out = out * jnp.sqrt(jnp.asarray(EMBED_DIM, dtype=out.dtype))
    return out

if __name__ == "__main__":
    import jax
    _d = setup_inputs()
    print(jax.jit(kernel)(*tuple(_d.values())))

</pallas_src>

<mosaic_0001>
#map = affine_map<(d0, d1) -> (0, 0)>
#map1 = affine_map<(d0, d1) -> (0)>
#map2 = affine_map<(d0, d1) -> (0, 0, 0)>
module attributes {stable_mosaic.version = 14 : i64} {
  func.func @_body(%arg0: i32, %arg1: i32, %arg2: memref<1000000x64xf32, #tpu.memory_space<hbm>>, %arg3: memref<32768xi32, #tpu.memory_space<hbm>>, %arg4: memref<4x8192x64xf32, #tpu.memory_space<hbm>>, %arg5: memref<1024xi32, #tpu.memory_space<vmem>>, %arg6: memref<1024x64xf32, #tpu.memory_space<vmem>>, %arg7: memref<!tpu.dma_semaphore, #tpu.memory_space<semaphore_mem>>) attributes {dimension_semantics = [#tpu.dimension_semantics<core_parallel>, #tpu.dimension_semantics<subcore_parallel>], iteration_bounds = array<i64: 2, 16>, scalar_prefetch = 0 : i64, scratch_operands = 3 : i64, tpu.core_type = #tpu.core_type<sc_vector_subcore>, window_params = [{transform_indices = #map}, {transform_indices = #map1}, {transform_indices = #map2}]} {
    %mul3A = arith.constant 2 : i32
    %mul3A_0 = arith.muli %arg1, %mul3A : i32
    %add3A = arith.addi %mul3A_0, %arg0 : i32
    %mul3A_1 = arith.constant 1024 : i32
    %mul3A_2 = arith.muli %add3A, %mul3A_1 : i32
    "tpu.region"() ({
      %run_scoped3A = tpu.sem_alloc : memref<!tpu.dma_semaphore, #tpu.memory_space<semaphore_mem>>
      %dma_start3A_44 = tpu.memref_slice %arg3[%mul3A_2] : memref<32768xi32, #tpu.memory_space<hbm>> -> memref<1024xi32, #tpu.memory_space<hbm>>
      %dma_start3A_45 = tpu.memref_slice %arg3[%mul3A_2] : memref<32768xi32, #tpu.memory_space<hbm>> -> memref<1024xi32, #tpu.memory_space<hbm>>
      tpu.enqueue_dma source(%dma_start3A_45 : memref<1024xi32, #tpu.memory_space<hbm>>) target(%arg5 : memref<1024xi32, #tpu.memory_space<vmem>>) target_semaphore(%run_scoped3A : memref<!tpu.dma_semaphore, #tpu.memory_space<semaphore_mem>>)
      %dma_wait3A_46 = tpu.memref_slice %arg3[%mul3A_2] : memref<32768xi32, #tpu.memory_space<hbm>> -> memref<1024xi32, #tpu.memory_space<hbm>>
      %dma_wait3A_47 = tpu.memref_slice %arg3[%mul3A_2] : memref<32768xi32, #tpu.memory_space<hbm>> -> memref<1024xi32, #tpu.memory_space<hbm>>
      tpu.wait_dma2 semaphore(%run_scoped3A : memref<!tpu.dma_semaphore, #tpu.memory_space<semaphore_mem>>) src(%dma_wait3A_47 : memref<1024xi32, #tpu.memory_space<hbm>>) dst(%arg5 : memref<1024xi32, #tpu.memory_space<vmem>>)
      tpu.yield
    }) : () -> ()
    %dma_start3A = arith.constant 0 : i32
    %dma_start3A_3 = arith.constant 0 : i32
    %dma_start3A_4 = tpu.memref_slice %arg2[%dma_start3A, %dma_start3A_3] : memref<1000000x64xf32, #tpu.memory_space<hbm>> -> memref<1000000x64xf32, #tpu.memory_space<hbm>>
    tpu.enqueue_indirect_dma source(%dma_start3A_4 : memref<1000000x64xf32, #tpu.memory_space<hbm>>) target(%arg6 : memref<1024x64xf32, #tpu.memory_space<vmem>>) offsets(%arg5 : memref<1024xi32, #tpu.memory_space<vmem>>) semaphore(%arg7 : memref<!tpu.dma_semaphore, #tpu.memory_space<semaphore_mem>>)
    %dma_wait3A = arith.constant 0 : i32
    %dma_wait3A_5 = arith.constant 0 : i32
    %dma_wait3A_6 = tpu.memref_slice %arg2[%dma_wait3A, %dma_wait3A_5] : memref<1000000x64xf32, #tpu.memory_space<hbm>> -> memref<1000000x64xf32, #tpu.memory_space<hbm>>
    tpu.wait_indirect_dma semaphore(%arg7 : memref<!tpu.dma_semaphore, #tpu.memory_space<semaphore_mem>>) src(%dma_wait3A_6 : memref<1000000x64xf32, #tpu.memory_space<hbm>>) dst(%arg6 : memref<1024x64xf32, #tpu.memory_space<vmem>>)
    %scan3A = arith.constant 0 : i32
    %scan3A_7 = arith.constant 0 : i32
    %scan3A_8 = arith.constant 1024 : i32
    %scan3A_9 = arith.addi %scan3A_7, %scan3A_8 : i32
    %scan3A_10 = arith.constant 1 : i32
    scf.for %scan3A_44 = %scan3A_7 to %scan3A_9 step %scan3A_10  : i32 {
      %get3A = arith.index_cast %scan3A_44 : i32 to index
      %get3A_45 = arith.constant 0 : index
      %get3A_46 = tpu.vector_load %arg6[%get3A, %get3A_45] {strides = array<i32>} : memref<1024x64xf32, #tpu.memory_space<vmem>>, vector<1x16xf32>,
      %get3A_47 = vector.shape_cast %get3A_46 : vector<1x16xf32> to vector<16xf32>
      %mul3A_48 = arith.constant 8.000000e+00 : f32
      %mul3A_49 = vector.broadcast %mul3A_48 : f32 to vector<16xf32>
      %mul3A_50 = arith.mulf %get3A_47, %mul3A_49 : vector<16xf32>
      %swap3A = arith.index_cast %scan3A_44 : i32 to index
      %swap3A_51 = arith.constant 0 : index
      %swap3A_52 = tpu.vector_load %arg6[%swap3A, %swap3A_51] {strides = array<i32>} : memref<1024x64xf32, #tpu.memory_space<vmem>>, vector<1x16xf32>,
      %swap3A_53 = vector.shape_cast %swap3A_52 : vector<1x16xf32> to vector<16xf32>
      %swap3A_54 = vector.shape_cast %mul3A_50 : vector<16xf32> to vector<1x16xf32>
      tpu.vector_store %arg6[%swap3A, %swap3A_51], %swap3A_54 {strides = array<i32>} : memref<1024x64xf32, #tpu.memory_space<vmem>>, vector<1x16xf32>,
      %get3A_55 = arith.index_cast %scan3A_44 : i32 to index
      %get3A_56 = arith.constant 16 : index
      %get3A_57 = tpu.vector_load %arg6[%get3A_55, %get3A_56] {strides = array<i32>} : memref<1024x64xf32, #tpu.memory_space<vmem>>, vector<1x16xf32>,
      %get3A_58 = vector.shape_cast %get3A_57 : vector<1x16xf32> to vector<16xf32>
      %mul3A_59 = arith.constant 8.000000e+00 : f32
      %mul3A_60 = vector.broadcast %mul3A_59 : f32 to vector<16xf32>
      %mul3A_61 = arith.mulf %get3A_58, %mul3A_60 : vector<16xf32>
      %swap3A_62 = arith.index_cast %scan3A_44 : i32 to index
      %swap3A_63 = arith.constant 16 : index
      %swap3A_64 = tpu.vector_load %arg6[%swap3A_62, %swap3A_63] {strides = array<i32>} : memref<1024x64xf32, #tpu.memory_space<vmem>>, vector<1x16xf32>,
      %swap3A_65 = vector.shape_cast %swap3A_64 : vector<1x16xf32> to vector<16xf32>
      %swap3A_66 = vector.shape_cast %mul3A_61 : vector<16xf32> to vector<1x16xf32>
      tpu.vector_store %arg6[%swap3A_62, %swap3A_63], %swap3A_66 {strides = array<i32>} : memref<1024x64xf32, #tpu.memory_space<vmem>>, vector<1x16xf32>,
      %get3A_67 = arith.index_cast %scan3A_44 : i32 to index
      %get3A_68 = arith.constant 32 : index
      %get3A_69 = tpu.vector_load %arg6[%get3A_67, %get3A_68] {strides = array<i32>} : memref<1024x64xf32, #tpu.memory_space<vmem>>, vector<1x16xf32>,
      %get3A_70 = vector.shape_cast %get3A_69 : vector<1x16xf32> to vector<16xf32>
      %mul3A_71 = arith.constant 8.000000e+00 : f32
      %mul3A_72 = vector.broadcast %mul3A_71 : f32 to vector<16xf32>
      %mul3A_73 = arith.mulf %get3A_70, %mul3A_72 : vector<16xf32>
      %swap3A_74 = arith.index_cast %scan3A_44 : i32 to index
      %swap3A_75 = arith.constant 32 : index
      %swap3A_76 = tpu.vector_load %arg6[%swap3A_74, %swap3A_75] {strides = array<i32>} : memref<1024x64xf32, #tpu.memory_space<vmem>>, vector<1x16xf32>,
      %swap3A_77 = vector.shape_cast %swap3A_76 : vector<1x16xf32> to vector<16xf32>
      %swap3A_78 = vector.shape_cast %mul3A_73 : vector<16xf32> to vector<1x16xf32>
      tpu.vector_store %arg6[%swap3A_74, %swap3A_75], %swap3A_78 {strides = array<i32>} : memref<1024x64xf32, #tpu.memory_space<vmem>>, vector<1x16xf32>,
      %get3A_79 = arith.index_cast %scan3A_44 : i32 to index
      %get3A_80 = arith.constant 48 : index
      %get3A_81 = tpu.vector_load %arg6[%get3A_79, %get3A_80] {strides = array<i32>} : memref<1024x64xf32, #tpu.memory_space<vmem>>, vector<1x16xf32>,
      %get3A_82 = vector.shape_cast %get3A_81 : vector<1x16xf32> to vector<16xf32>
      %mul3A_83 = arith.constant 8.000000e+00 : f32
      %mul3A_84 = vector.broadcast %mul3A_83 : f32 to vector<16xf32>
      %mul3A_85 = arith.mulf %get3A_82, %mul3A_84 : vector<16xf32>
      %swap3A_86 = arith.index_cast %scan3A_44 : i32 to index
      %swap3A_87 = arith.constant 48 : index
      %swap3A_88 = tpu.vector_load %arg6[%swap3A_86, %swap3A_87] {strides = array<i32>} : memref<1024x64xf32, #tpu.memory_space<vmem>>, vector<1x16xf32>,
      %swap3A_89 = vector.shape_cast %swap3A_88 : vector<1x16xf32> to vector<16xf32>
      %swap3A_90 = vector.shape_cast %mul3A_85 : vector<16xf32> to vector<1x16xf32>
      tpu.vector_store %arg6[%swap3A_86, %swap3A_87], %swap3A_90 {strides = array<i32>} : memref<1024x64xf32, #tpu.memory_space<vmem>>, vector<1x16xf32>,
    }
    %scan3A_11 = arith.constant 1024 : i32
    %jit3A = arith.constant 8 : i32
    %div3A = arith.divsi %add3A, %jit3A : i32
    %sign3A = arith.constant 0 : i32
    %sign3A_12 = arith.cmpi sgt, %add3A, %sign3A : i32
    %sign3A_13 = arith.extui %sign3A_12 : i1 to i32
    %sign3A_14 = arith.constant 0 : i32
    %sign3A_15 = arith.cmpi slt, %add3A, %sign3A_14 : i32
    %sign3A_16 = arith.extui %sign3A_15 : i1 to i32
    %sign3A_17 = arith.subi %sign3A_13, %sign3A_16 : i32
    %sign3A_18 = arith.constant 0 : i32
    %sign3A_19 = arith.cmpi sgt, %jit3A, %sign3A_18 : i32
    %sign3A_20 = arith.extui %sign3A_19 : i1 to i32
    %sign3A_21 = arith.constant 0 : i32
    %sign3A_22 = arith.cmpi slt, %jit3A, %sign3A_21 : i32
    %sign3A_23 = arith.extui %sign3A_22 : i1 to i32
    %sign3A_24 = arith.subi %sign3A_20, %sign3A_23 : i32
    %ne3A = arith.cmpi ne, %sign3A_17, %sign3A_24 : i32
    %rem3A = arith.remsi %add3A, %jit3A : i32
    %ne3A_25 = arith.constant 0 : i32
    %ne3A_26 = arith.cmpi ne, %rem3A, %ne3A_25 : i32
    %and3A = arith.andi %ne3A, %ne3A_26 : i1
    %sub3A = arith.constant 1 : i32
    %sub3A_27 = arith.subi %div3A, %sub3A : i32
    %select_n3A = arith.select %and3A, %sub3A_27, %div3A : i32
    %jit3A_28 = arith.constant 8 : i32
    %eq3A = arith.constant 0 : i32
    %eq3A_29 = arith.cmpi eq, %jit3A_28, %eq3A : i32
    %jit3A_30 = arith.constant 1 : i32
    %select_n3A_31 = arith.select %eq3A_29, %jit3A_30, %jit3A_28 : i32
    %rem3A_32 = arith.remsi %add3A, %select_n3A_31 : i32
    %ne3A_33 = arith.constant 0 : i32
    %ne3A_34 = arith.cmpi ne, %rem3A_32, %ne3A_33 : i32
    %lt3A = arith.constant 0 : i32
    %lt3A_35 = arith.cmpi slt, %rem3A_32, %lt3A : i32
    %lt3A_36 = arith.constant 0 : i32
    %lt3A_37 = arith.cmpi slt, %select_n3A_31, %lt3A_36 : i32
    %ne3A_38 = arith.xori %lt3A_35, %lt3A_37 : i1
    %and3A_39 = arith.andi %ne3A_38, %ne3A_34 : i1
    %add3A_40 = arith.addi %rem3A_32, %select_n3A_31 : i32
    %select_n3A_41 = arith.select %and3A_39, %add3A_40, %rem3A_32 : i32
    %mul3A_42 = arith.constant 1024 : i32
    %mul3A_43 = arith.muli %select_n3A_41, %mul3A_42 : i32
    "tpu.region"() ({
      %run_scoped3A = tpu.sem_alloc : memref<!tpu.dma_semaphore, #tpu.memory_space<semaphore_mem>>
      %dma_start3A_44 = arith.constant 0 : i32
      %dma_start3A_45 = tpu.memref_slice %arg4[%select_n3A, %mul3A_43, %dma_start3A_44] : memref<4x8192x64xf32, #tpu.memory_space<hbm>> -> memref<1x1024x64xf32, #tpu.memory_space<hbm>>
      %dma_start3A_46 = tpu.memref_squeeze %dma_start3A_45 : memref<1x1024x64xf32, #tpu.memory_space<hbm>> -> memref<1024x64xf32, #tpu.memory_space<hbm>>
      %dma_start3A_47 = arith.constant 0 : i32
      %dma_start3A_48 = tpu.memref_slice %arg4[%select_n3A, %mul3A_43, %dma_start3A_47] : memref<4x8192x64xf32, #tpu.memory_space<hbm>> -> memref<1x1024x64xf32, #tpu.memory_space<hbm>>
      %dma_start3A_49 = tpu.memref_squeeze %dma_start3A_48 : memref<1x1024x64xf32, #tpu.memory_space<hbm>> -> memref<1024x64xf32, #tpu.memory_space<hbm>>
      tpu.enqueue_dma source(%arg6 : memref<1024x64xf32, #tpu.memory_space<vmem>>) target(%dma_start3A_49 : memref<1024x64xf32, #tpu.memory_space<hbm>>) target_semaphore(%run_scoped3A : memref<!tpu.dma_semaphore, #tpu.memory_space<semaphore_mem>>)
      %dma_wait3A_50 = arith.constant 0 : i32
      %dma_wait3A_51 = tpu.memref_slice %arg4[%select_n3A, %mul3A_43, %dma_wait3A_50] : memref<4x8192x64xf32, #tpu.memory_space<hbm>> -> memref<1x1024x64xf32, #tpu.memory_space<hbm>>
      %dma_wait3A_52 = tpu.memref_squeeze %dma_wait3A_51 : memref<1x1024x64xf32, #tpu.memory_space<hbm>> -> memref<1024x64xf32, #tpu.memory_space<hbm>>
      %dma_wait3A_53 = arith.constant 0 : i32
      %dma_wait3A_54 = tpu.memref_slice %arg4[%select_n3A, %mul3A_43, %dma_wait3A_53] : memref<4x8192x64xf32, #tpu.memory_space<hbm>> -> memref<1x1024x64xf32, #tpu.memory_space<hbm>>
      %dma_wait3A_55 = tpu.memref_squeeze %dma_wait3A_54 : memref<1x1024x64xf32, #tpu.memory_space<hbm>> -> memref<1024x64xf32, #tpu.memory_space<hbm>>
      tpu.wait_dma2 semaphore(%run_scoped3A : memref<!tpu.dma_semaphore, #tpu.memory_space<semaphore_mem>>) src(%arg6 : memref<1024x64xf32, #tpu.memory_space<vmem>>) dst(%dma_wait3A_55 : memref<1024x64xf32, #tpu.memory_space<hbm>>)
      tpu.yield
    }) : () -> ()
    return
  }
}

</mosaic_0001>

<sc_bundles>
// kernel: _embed.3.cloned.1.call-start
scs
__scs_entry_jumppad:
0x0: {  	(pc) =	sbr.rel $0x88, $3  }
0x1: {  	(tag) =	ssettag $0x0;
	lr =	simm.s32 $0x1  }
0x2: {  	[smem:$0x3F9F] =	sst lr;
	_ =	strace $0xD0000000  }
0x3: {  	_ = 	snop  }
0x4: {  	_ = 	snop  }
0x5: {  	_ = 	snop  }
0x6: {  	_ = 	snop  }
0x7: {  	_ = 	snop  }
__scs_overlays_trampoline_lowered:
0x8: {  	[smem:$0x3FAE] =	sst s0  }
0x9: {  	[smem:$0x3FAF] =	sst s1  }
0xa: {  	[smem:$0x3FB0] =	sst s2  }
0xb: {  	[smem:$0x3FB1] =	sst s3  }
0xc: {  	[smem:$0x3FB2] =	sst s4  }
0xd: {  	[smem:$0x3FB3] =	sst s5  }
0xe: {  	[smem:$0x3FB4] =	sst s6  }
0xf: {  	[smem:$0x3FB5] =	sst s7  }
0x10: {  	[smem:$0x3FB6] =	sst s8  }
0x11: {  	[smem:$0x3FB7] =	sst s9;
	s0 =	simm.s32 @!p0 $0x0  }
0x12: {  	s1 =	sld [smem:$0x3F9D];
	s0 =	simm.s32 @p0 $0x1  }
0x13: {  	[smem:$0x3FB8] =	sst s0;
	s0 =	simm.s32 @!p1 $0x0  }
0x14: {  	s2 =	sld [smem:$0x3F9C];
	s0 =	simm.s32 @p1 $0x1  }
0x15: {  	[smem:$0x3FB9] =	sst s0;
	s0 =	simm.s32 @!p2 $0x0  }
0x16: {  	s3 =	sld [smem:$0x3FDB];
	s0 =	simm.s32 @p2 $0x1  }
0x17: {  	s4 =	simm.s32 $0x1BF5;
	[smem:$0x3FBB] =	sst s0  }
0x18: {  	s0 =	sld [smem:$0x3F9E];
	_ =	swait.ge [sflag:s4], $0x0  }
0x19: {  	s7 =	sld [smem:$0x3F9F]  }
0x1a: {  	s8 =	sadd.s32 $0xFFFFE003, lr  }
0x1b: {  	s9 =	sadd.s32 $0xFFFFFEF7, lr;
	s5 =	simm.s32 $0xFFFFFFFF;
	p2 =	slt.u32 s8, $0xFFFFF086  }
0x1c: {  	p1 =	slt.u32 s9, $0xF7A;
	s5 =	simm.s32 @!p2 $0x0  }
0x1d: {  	s5 =	simm.s32 @p1 $0x1;
	p0 =	seq.s32 s7, s2  }
0x1e: {  	s7 =	smul.u32 @!p0 $0xF7A, s2;
	p2 =	seq.s32 @!p0 s5, $0x0  }
0x1f: {  	s9 =	smul.u32 $0xF7A, s1;
	s8 =	simm.s32 @!p0 $0x1BF5;
	p2 =	por !p2, p0  }
0x20: {  	[sflag:s8] =	ssyncset.s32 @!p0 $0xFFFFF086;
	s6 =	sadd.s32 @!p0 s3, s7;
	s7 =	simm.s32 @!p0 $0x108  }
0x21: {  	s3 =	sadd.s32 s3, s9;
	s6 =	sadd.s32 @!p0 $0x88, s6;
	s7 =	simm.s32 @p2 $0x1082  }
0x22: {  	[simem:s7], [sflag:s8] =	dma.local @!p0 [hbm:s6], $0xF7A  }
0x23: {  	s9 =	sor.u32 $0xD0000000, s2;
	s6 =	simm.s32 $0x108;
	_ =	swait.ge @!p0 [sflag:s8], $0x0  }
0x24: {  	s3 =	sadd.s32 $0x88, s3;
	s6 =	simm.s32 @!p1 $0x1082;
	[sflag:s4] =	ssyncset.s32 $0xFFFFF086  }
0x25: {  	[simem:s6], [sflag:s4] =	dma.local [hbm:s3], $0xF7A  }
0x26: {  	[smem:$0x3F9F] =	sst s1;
	(tag) =	ssettag s2;
	_ =	strace s9  }
0x27: {  	s1 =	sld [smem:$0x3FAF]  }
0x28: {  	s2 =	sld [smem:$0x3FB0]  }
0x29: {  	s4 =	sld [smem:$0x3FB2]  }
0x2a: {  	p0 =	seq.s32 s5, $0x0;
	s5 =	sld [smem:$0x3FB3]  }
0x2b: {  	s6 =	sld [smem:$0x3FB4]  }
0x2c: {  	s7 =	sld [smem:$0x3FB5]  }
0x2d: {  	s3 =	simm.s32 $0x108;
	s8 =	sld [smem:$0x3FB6]  }
0x2e: {  	s3 =	simm.s32 @!p0 $0x1082;
	s9 =	sld [smem:$0x3FB7]  }
0x2f: {  	lr =	sadd.s32 s0, s3;
	s0 =	sld [smem:$0x3FAE]  }
0x30: {  	s3 =	sld [smem:$0x3FB1]  }
0x31: {  	[smem:$0x3FBA] =	sst s10  }
0x32: {  	s10 =	sld [smem:$0x3FB8];
	_ =	sdelay $0x3  }
0x33: {  	p0 =	seq.s32 s10, $0x1;
	s10 =	sld [smem:$0x3FBA];
	_ =	sdelay $0x3  }
0x34: {  	[smem:$0x3FBA] =	sst s10  }
0x35: {  	s10 =	sld [smem:$0x3FB9];
	_ =	sdelay $0x3  }
0x36: {  	p1 =	seq.s32 s10, $0x1;
	s10 =	sld [smem:$0x3FBA];
	_ =	sdelay $0x3  }
0x37: {  	[smem:$0x3FBA] =	sst s10  }
0x38: {  	s10 =	sld [smem:$0x3FBB]  }
0x39: {  	_ = 	snop;
	(pc) =	sbr.ind lr, $3  }
0x3a: {  	_ = 	snop  }
0x3b: {  	_ = 	snop  }
0x3c: {  	p2 =	seq.s32 s10, $0x1;
	s10 =	sld [smem:$0x3FBA]  }
0x3d: {  	_ =	shalt  }
0x3e: {  	_ =	shalt  }
0x3f: {  	_ =	shalt  }
0x40: {  	_ =	shalt  }
0x41: {  	_ =	shalt  }
0x42: {  	_ =	shalt  }
0x43: {  	_ =	shalt  }
0x44: {  	_ =	shalt  }
0x45: {  	_ =	shalt  }
0x46: {  	_ =	shalt  }
0x47: {  	_ =	shalt  }
0x48: {  	_ =	shalt  }
0x49: {  	_ =	shalt  }
0x4a: {  	_ =	shalt  }
0x4b: {  	_ =	shalt  }
0x4c: {  	_ =	shalt  }
0x4d: {  	_ =	shalt  }
0x4e: {  	_ =	shalt  }
0x4f: {  	_ =	shalt  }
0x50: {  	_ =	shalt  }
0x51: {  	_ =	shalt  }
0x52: {  	_ =	shalt  }
0x53: {  	_ =	shalt  }
0x54: {  	_ =	shalt  }
0x55: {  	_ =	shalt  }
0x56: {  	_ =	shalt  }
0x57: {  	_ =	shalt  }
0x58: {  	_ =	shalt  }
0x59: {  	_ =	shalt  }
0x5a: {  	_ =	shalt  }
0x5b: {  	_ =	shalt  }
0x5c: {  	_ =	shalt  }
0x5d: {  	_ =	shalt  }
0x5e: {  	_ =	shalt  }
0x5f: {  	_ =	shalt  }
0x60: {  	_ =	shalt  }
0x61: {  	_ =	shalt  }
0x62: {  	_ =	shalt  }
0x63: {  	_ =	shalt  }
0x64: {  	_ =	shalt  }
0x65: {  	_ =	shalt  }
0x66: {  	_ =	shalt  }
0x67: {  	_ =	shalt  }
0x68: {  	_ =	shalt  }
0x69: {  	_ =	shalt  }
0x6a: {  	_ =	shalt  }
0x6b: {  	_ =	shalt  }
0x6c: {  	_ =	shalt  }
0x6d: {  	_ =	shalt  }
0x6e: {  	_ =	shalt  }
0x6f: {  	_ =	shalt  }
0x70: {  	_ =	shalt  }
0x71: {  	_ =	shalt  }
0x72: {  	_ =	shalt  }
0x73: {  	_ =	shalt  }
0x74: {  	_ =	shalt  }
0x75: {  	_ =	shalt  }
0x76: {  	_ =	shalt  }
0x77: {  	_ =	shalt  }
0x78: {  	_ =	shalt  }
0x79: {  	_ =	shalt  }
0x7a: {  	_ =	shalt  }
0x7b: {  	_ =	shalt  }
0x7c: {  	_ =	shalt  }
0x7d: {  	_ =	shalt  }
0x7e: {  	_ =	shalt  }
0x7f: {  	_ =	shalt  }
0x80: {  	_ =	shalt  }
0x81: {  	_ =	shalt  }
0x82: {  	_ =	shalt  }
0x83: {  	_ =	shalt  }
0x84: {  	_ =	shalt  }
0x85: {  	_ =	shalt  }
0x86: {  	_ =	shalt  }
0x87: {  	_ =	shalt  }
.Lfunc_end0:
.L_simem_size_0:
called_computation_lowered:
.L_overlay_start_0:
0x88: {  	s2 =	sld [smem:$0x3FD9]  }
0x89: {  	s3 =	sld [smem:$0x3FFE];
	_ =	sdelay $0x1  }
0x8a: {  	s1 =	srdreg.scid  }
0x8b: {  	s0 =	sand.u32 $0x1, s1  }
0x8c: {  	s17 =	sshll.u32 s0, $0xA;
	s2 =	sadd.s32 s3, s2  }
0x8d: {  	s2 =	sadd.s32 s2, s17  }
0x8e: {  	[smem:$0x3FC6] =	sst s2  }
0x8f: {  	_ = 	snop  }
0x90: {  	s2 =	sld [smem:$0x3FC8]  }
0x91: {  	s18 =	sld [smem:$0x3FD0];
	(tm) =	ssettm $0x1  }
0x92: {  	s4 =	sld [smem:$0x3FFB];
	_ =	sdelay $0x3  }
0x93: {  	_ =	strace s4  }
0x94: {  	s4 =	sld [smem:$0x3FFC];
	_ =	sdelay $0x3  }
0x95: {  	_ =	strace s4  }
0x96: {  	s4 =	sld [smem:$0x3FFD];
	_ =	sdelay $0x3  }
0x97: {  	_ =	strace s4  }
0x98: {  	_ =	strace $0x8FFFFFFF  }
0x99: {  	s19 =	sld [smem:$0x3FDB];
	_ =	sdelay $0x1  }
0x9a: {  	s5 =	simm.s32 $_scs_section_size  }
0x9b: {  	s6 =	simm.s32 $_size__tile_overlayer_lowered;
	s7 =	simm.s32 $_tile_overlayer_lowered  }
0x9c: {  	s22 =	simm.s32 $0x1BFF;
	s21 =	sshll.u32 s7, $0x1;
	s4 =	sadd.s32 s5, s19  }
0x9d: {  	s8 =	simm.s32 $0x0;
	s20 =	sshll.u32 s6, $0x1;
	s6 =	sadd.s32 s21, s4  }
0x9e: {  	[timem:s8], [sflag:s22] =	dma.local [hbm:s6], s20  }
0x9f: {  	_ =	swait.ge [sflag:s22], s20  }
0xa0: {  	s5 =	ssub.s32 $0x0, s20;
	[sflag:s22] =	ssyncset.done $0x0  }
0xa1: {  	[sflag:s22] =	ssyncadd.s32 s5;
	_ =	sdelay $0x1  }
0xa2: {  	s23 =	simm.s32 $0x1B8B  }
0xa3: {  	_ =	swait.ge [sflag:s23], $0x1  }
0xa4: {  	[sflag:s23] =	ssyncset.done $0x0  }
0xa5: {  	s25 =	simm.s32 $0x1B8E;
	s24 =	sld [smem:$0x3FFE];
	[sflag:s23] =	ssyncadd.s32 $0xFFFFFFFF  }
0xa6: {  	s26 =	simm.s32 $execute0_lowered;
	[smem:$0x3FD2] =	sst s25  }
0xa7: {  	s6 =	sshll.u32 s26, $0x1;
	_ =	strace $0x80000046;
	[dreg:$0x1] =	wrdreg $0xFFFFFFFF  }
0xa8: {  	s28 =	simm.s32 $_size_execute0_lowered;
	s4 =	sadd.s32 s4, s6;
	[dreg:$0x0] =	wrdreg $0x0  }
0xa9: {  	s6 =	sshll.u32 s28, $0x1;
	[dreg:$0x2] =	wrdreg s4  }
0xaa: {  	[dreg:$0x3] =	wrdreg s6  }
0xab: {  	[dreg:$0x4] =	wrdreg $0xC0  }
0xac: {  	_ =	task [dreg:s8], $0x5FFFF  }
0xad: {  	[dreg:$0x1] =	wrdreg $0xFFFFFFFF  }
0xae: {  	[dreg:$0x0] =	wrdreg $0x60  }
0xaf: {  	[dreg:$0x2] =	wrdreg s24  }
0xb0: {  	[dreg:$0x3] =	wrdreg s2  }
0xb1: {  	[dreg:$0x4] =	wrdreg s18  }
0xb2: {  	[dreg:$0x5] =	wrdreg $0x9  }
0xb3: {  	_ =	task.clear_ibuf [dreg:s8], $0x6FFFF;
	_ =	strace $0x90000046  }
0xb4: {  	s29 =	simm.s32 $0x9;
	_ =	strace $0x80000048  }
0xb5: {  	_ =	swait.ge [sflag:s29], $0x1  }
0xb6: {  	[sflag:s29] =	ssyncadd.s32 $0xFFFFFFFF  }
0xb7: {  	_ =	strace $0x90000048  }
0xb8: {  	_ =	sfence  }
0xb9: {  	s30 =	sld [smem:$0x0];
	_ =	sdelay $0x2  }
0xba: {  	s31 =	sshll.u32 s1, $0xD;
	s1 =	sshrl.u32 s1, $0x2  }
0xbb: {  	s3 =	sand.u32 $0x4000, s31;
	s1 =	sadd.s32 s1, s30  }
0xbc: {  	s0 =	sor.u32 s3, s0;
	s1 =	sshll.u32 s1, $0x11  }
0xbd: {  	s0 =	sor.u32 s1, s0  }
0xbe: {  	s0 =	sadd.s32 $0x8F2B, s0  }
0xbf: {  	[sflag:s0] =	ssyncadd.remote.s32 $0x1  }
0xc0: {  	_ =	sfence.sel $0xFFFF  }
0xc1: {  	[dreg:$0x0] =	wrdreg $0xFFFFFFFF;
	(pc) =	sbr.abs _section_cstart, $3  }
0xc2: {  	[dreg:$0x1] =	wrdreg $0xFFFFFFFF  }
0xc3: {  	_ =	task.clear_ibuf [dreg:s8], $0x2FFFF;
	_ =	strace $0x9FFFFFFF  }
0xc4: {  	(tm) =	ssettm $0x7FFFFFFF  }
0xc5: {  	_ =	shalt  }
tec
execute0_lowered:
.L_overlay_start_1:
0x0: {  	(tag) =	ssettag $0x1  }
0x1: {  	s3 =	rddreg [dreg:$0x0]  }
0x2: {  	s4 =	rddreg [dreg:$0x1]  }
0x3: {  	s5 =	rddreg [dreg:$0x2]  }
0x4: {  	s0 =	rddreg [dreg:$0x3];
	s1 =	simm.s32 $0x0  }
0x5: {  	s2 =	srdreg.scid;
	s10 =	simm.s32 $0x0;
	[smem:$0x7FF] =	sst s1  }
0x6: {  	s6 =	sand.u32 $0x1, s2;
	s2 =	stileid.u32;
	s3 =	sadd.s32 $0xF42800, s3  }
0x7: {  	_ =	strace $0x80000047;
	s7 =	ssub.s32 $0x2, s6;
	s9 =	sshll.u32 s2, $0x1  }
0x8: {  	s31 =	sshll.u32 s2, $0xE;
	s8 =	sshrl.u32 s7, $0x1;
	s6 =	sor.u32 s6, s9  }
0x9: {  	s7 =	ssub.s32 s7, s8;
	s9 =	sshll.u32 s6, $0x7;
	s6 =	sshll.u32 s6, $0xD  }
0xa: {  	s8 =	sand.u32 $0x30000, s31;
	s4 =	sadd.s32 s4, s9;
	s6 =	sand.u32 $0xE000, s6  }
0xb: {  	s5 =	sadd.s32 s5, s8;
	s8 =	simm.s32 $0x400;
	s9 =	simm.s32 $0x1  }
0xc: {  	s5 =	sadd.s32 s6, s5;
	s6 =	smax.u32 s7, $0x1;
	s7 =	simm.s32 $0x2  }
.LBB2_1:
0xd: {  	[tilespmem:s1], [sflag:$0x2] =	stream.linear.gather [hbm4b:s4+s1], $0x400, $0x38;
	[tilespmem:$0x10400] =	vst v63  }
0xe: {  	_ =	swait.ge [sflag:s7], $0x400  }
0xf: {  	[sflag:s7] =	ssyncset.done $0x0  }
0x10: {  	[sflag:s7] =	ssyncadd.s32 $0xFFFFFC00  }
0x11: {  	[tilespmem:s8], [sflag:$0x1] =	stream.indirect.gather [hbm4b:s3+s8], $0x40, s1, s8, $0xb8;
	[tilespmem:$0x10400] =	vst v63  }
0x12: {  	_ =	swait.ge [sflag:s9], $0x10000  }
0x13: {  	[sflag:s9] =	ssyncset.done $0x0  }
0x14: {  	s11 =	simm.s32 $0x0;
	[sflag:s9] =	ssyncadd.s32 $0xFFFF0000  }
0x15: {  	v0 =	vld [tilespmem:s11+$0x400]  }
0x16: {  	v2 =	vld [tilespmem:s11+$0x410]  }
0x17: {  	s12 =	simm.s32 $0x100;
	v1 =	vld [tilespmem:s11+$0x420]  }
.LBB2_2:
0x18: {  	p0 =	sne.s32 s12, $0x3FF00;
	v3 =	vld [tilespmem:s11+$0x430];
	_ =	sdelay $0x1  }
0x19: {  	v0 =	vmul.f32 $8.000000000e+00, v0  }
.Ltmp0:
0x1a: {  	v2 =	vmul.f32 $8.000000000e+00, v2;
	(pc) =	sbr.rel @p0 .LBB2_2-.Ltmp0, $4  }
0x1b: {  	s13 =	sshra.s32 s12, $0x2;
	[tilespmem:s11+$0x400] =	vst v0;
	v1 =	vmul.f32 $8.000000000e+00, v1  }
0x1c: {  	v0 =	vld [tilespmem:s13+$0x400];
	[tilespmem:s11+$0x410] =	vst v2;
	v3 =	vmul.f32 $8.000000000e+00, v3  }
0x1d: {  	v2 =	vld [tilespmem:s13+$0x410];
	[tilespmem:s11+$0x420] =	vst v1  }
0x1e: {  	s12 =	sadd.s32 $0x100, s12;
	v1 =	vld [tilespmem:s13+$0x420];
	[tilespmem:s11+$0x430] =	vst v3;
	s11 =	smov.u32 s13  }
0x1f: {  	v3 =	vld [tilespmem:s11+$0x430];
	_ =	sdelay $0x1  }
0x20: {  	v0 =	vmul.f32 $8.000000000e+00, v0  }
0x21: {  	v2 =	vmul.f32 $8.000000000e+00, v2  }
0x22: {  	[tilespmem:s11+$0x400] =	vst v0;
	v62 =	vmul.f32 $8.000000000e+00, v1  }
0x23: {  	s10 =	sadd.s32 $0x1, s10;
	[tilespmem:s11+$0x410] =	vst v2;
	v63 =	vmul.f32 $8.000000000e+00, v3  }
0x24: {  	p0 =	sne.s32 s10, s6;
	[tilespmem:s11+$0x420] =	vst v62  }
.Ltmp1:
0x25: {  	[tilespmem:s11+$0x430] =	vst v63;
	(pc) =	sbr.rel @p0 .LBB2_1-.Ltmp1, $4  }
0x26: {  	[hbm4b:s5+s1] =	stream.linear.scatter [tilespmem:s8], [sflag:$0x2], $0x10000, $0x38;
	[tilespmem:$0x10400] =	vst v63  }
0x27: {  	_ =	swait.ge [sflag:s7], $0x10000  }
0x28: {  	[sflag:s7] =	ssyncset.done $0x0  }
0x29: {  	[sflag:s7] =	ssyncadd.s32 $0xFFFF0000  }
0x2a: {  	_ =	sfence.sel $0x180000  }
0x2b: {  	[bflag:$0x0] =	sbarrier.arrive $0xFFFF  }
0x2c: {  	p0 =	sne.s32 s2, $0x0;
	_ =	strace $0x90000047  }
0x2d: {  	s0 =	sadd.s32 @!p0 $0x100000, s0;
	[bflag:$0x2] =	sbarrier.arrive $0xFFFF  }
0x2e: {  	[sflag:s0] =	ssyncadd.tile.s32 @!p0 $0x1;
	_ =	shalt  }
.Lfunc_end2:
_tile_overlayer_lowered:
.L_overlay_start_2:
0x2f: {  	(tag) =	ssettag $0x2  }
0x30: {  	s0 =	rddreg [dreg:$0x0];
	s2 =	stileid.u32  }
0x31: {  	s1 =	rddreg [dreg:$0x1];
	p0 =	sne.s32 s2, $0x0  }
0x32: {  	s3 =	rddreg [dreg:$0x2];
	[bflag:$0x3] =	sbarrier.arrive $0xFFFF;
	s2 =	simm.s32 @!p0 $0x1C02  }
0x33: {  	[timem:s3], [sflag:s2] =	dma.local @!p0 [hbm:s0], s1  }
0x34: {  	s0 =	simm.s32 @!p0 $0x2  }
0x35: {  	_ =	swait.ge @!p0 [sflag:s0], s1  }
0x36: {  	s1 =	ssub.s32 @!p0 $0x0, s1;
	[sflag:s0] =	ssyncset.done @!p0 $0x0  }
0x37: {  	[sflag:s0] =	ssyncadd.s32 @!p0 s1  }
0x38: {  	[bflag:$0x3] =	sbarrier.arrive $0xFFFF  }
0x39: {  	_ =	shalt  }

</sc_bundles>
